<compile_context>
chip_gen: v7x
topology: tpu7x:2x2x1
jax: 0.10.2.dev20260603
libtpu: 0.0.44.dev20260713+nightly
codegen_flags: <defaults>
</compile_context>

<pallas_src>
import functools

import jax
import jax.numpy as jnp
from jax import lax
from jax.experimental import pallas as pl
from jax.experimental.pallas import tpu as pltpu
from jax.experimental.pallas import tpu_sc as plsc

B, S, D = 4, 8192, 4096
L = 16
NS = 16
CHUNK = (B * S) // NS
PER_BATCH = S // CHUNK
UNROLL = 8

_mesh = plsc.VectorSubcoreMesh(
    core_axis_name="c", subcore_axis_name="s", num_cores=1
)


@functools.partial(
    pl.kernel,
    mesh=_mesh,
    out_type=jax.ShapeDtypeStruct((B * B, D), jnp.float32),
    compiler_params=pltpu.CompilerParams(needs_layout_passes=False),
    scratch_types=[
        pltpu.VMEM((CHUNK,), jnp.int32),
        pltpu.VMEM((L,), jnp.int32),
        pltpu.VMEM_SHARED((NS * L,), jnp.int32),
        pltpu.VMEM((PER_BATCH * L,), jnp.int32),
        pltpu.VMEM((L,), jnp.int32),
        pltpu.VMEM((1, D), jnp.float32),
        pltpu.SemaphoreType.DMA,
    ],
)
def _pool(lhs_hbm, mask_hbm, out_hbm,
          chunk_v, pad_v, sums_sh, row_sums_v, idxs_v, row_v, sem):
    s = lax.axis_index("s")

    pltpu.sync_copy(mask_hbm.at[pl.ds(s * CHUNK, CHUNK)], chunk_v)

    def step(i, accs):
        return tuple(
            accs[u]
            + plsc.all_reduce_population_count(
                chunk_v[pl.ds((i * UNROLL + u) * L, L)] != 0
            )
            for u in range(UNROLL)
        )

    zeros = jnp.zeros((L,), jnp.int32)
    accs = lax.fori_loop(0, CHUNK // (L * UNROLL), step, (zeros,) * UNROLL)
    acc = ((accs[0] + accs[1]) + (accs[2] + accs[3])) + (
        (accs[4] + accs[5]) + (accs[6] + accs[7])
    )
    pad_v[...] = acc
    pltpu.sync_copy(pad_v, sums_sh.at[pl.ds(s * L, L)])
    plsc.subcore_barrier()

    b = s // B
    j = s % B
    pltpu.sync_copy(
        sums_sh.at[pl.ds(j * (PER_BATCH * L), PER_BATCH * L)], row_sums_v
    )
    v = zeros
    for k in range(PER_BATCH):
        v = v + row_sums_v[pl.ds(k * L, L)]
    v = jnp.where(v < 1, S, v)
    idx = b * S + v - 1
    idxs_v[...] = idx
    pltpu.async_copy(lhs_hbm.at[idxs_v.at[pl.ds(0, 1)]], row_v, sem).wait()
    pltpu.sync_copy(row_v, out_hbm.at[pl.ds(s, 1)])


def kernel(last_hidden_state, attention_mask):
    lhs2 = last_hidden_state.reshape(B * S, D)
    mask = attention_mask.astype(jnp.int32).reshape(B * S)
    out = _pool(lhs2, mask)
    return out.reshape(B, B, D)

# --- scband reference (transcript-rebuilt; emitter-appended) ---
"""Pipeline reference for scband-last-token-pooler-31430570672249 (READ-ONLY COPY).

The authoritative reference and input builder live on the scoring server;
editing this copy changes nothing except your own understanding.
"""

import jax, jax.numpy as jnp
import numpy as np


def setup_inputs(seed: int = 0) -> dict:
    key = jax.random.key(seed)
    k1, k2 = jax.random.split(key)
    last_hidden_state = jax.random.normal(k1, (4, 8192, 4096), dtype=jnp.float32)
    attention_mask = jax.random.randint(k2, (4, 8192), 0, 2, dtype=jnp.int64)
    return {"last_hidden_state": last_hidden_state, "attention_mask": attention_mask}


def reference(last_hidden_state, attention_mask):
    # Faithful translation of the torch module, including its indexing semantics:
    # output['last_hidden_state'][:, last_inds, :] with last_inds of shape [B]
    # produces a [B, B, D] tensor (advanced indexing on the seq dim).
    last_inds = jnp.sum(attention_mask, axis=1) - 1
    return last_hidden_state[:, last_inds, :]

if __name__ == "__main__":
    import jax
    _d = setup_inputs()
    print(jax.jit(kernel)(*tuple(_d.values())))

</pallas_src>

<mosaic_0001>
#map = affine_map<(d0, d1) -> (0, 0)>
#map1 = affine_map<(d0, d1) -> (0)>
module attributes {stable_mosaic.version = 14 : i64} {
  func.func @_pool(%arg0: i32, %arg1: i32, %arg2: memref<32768x4096xf32, #tpu.memory_space<hbm>>, %arg3: memref<32768xi32, #tpu.memory_space<hbm>>, %arg4: memref<16x4096xf32, #tpu.memory_space<hbm>>, %arg5: memref<2048xi32, #tpu.memory_space<vmem>>, %arg6: memref<16xi32, #tpu.memory_space<vmem>>, %arg7: memref<256xi32, #tpu.memory_space<vmem_shared>>, %arg8: memref<64xi32, #tpu.memory_space<vmem>>, %arg9: memref<16xi32, #tpu.memory_space<vmem>>, %arg10: memref<1x4096xf32, #tpu.memory_space<vmem>>, %arg11: memref<!tpu.dma_semaphore, #tpu.memory_space<semaphore_mem>>) attributes {dimension_semantics = [#tpu.dimension_semantics<core_parallel>, #tpu.dimension_semantics<subcore_parallel>], iteration_bounds = array<i64: 1, 16>, scalar_prefetch = 0 : i64, scratch_operands = 7 : i64, tpu.core_type = #tpu.core_type<sc_vector_subcore>, window_params = [{transform_indices = #map}, {transform_indices = #map1}, {transform_indices = #map}]} {
    %mul3A = arith.constant 2048 : i32
    %mul3A_0 = arith.muli %arg1, %mul3A : i32
    "tpu.region"() ({
      %run_scoped3A = tpu.sem_alloc : memref<!tpu.dma_semaphore, #tpu.memory_space<semaphore_mem>>
      %dma_start3A_82 = tpu.memref_slice %arg3[%mul3A_0] : memref<32768xi32, #tpu.memory_space<hbm>> -> memref<2048xi32, #tpu.memory_space<hbm>>
      %dma_start3A_83 = tpu.memref_slice %arg3[%mul3A_0] : memref<32768xi32, #tpu.memory_space<hbm>> -> memref<2048xi32, #tpu.memory_space<hbm>>
      tpu.enqueue_dma source(%dma_start3A_83 : memref<2048xi32, #tpu.memory_space<hbm>>) target(%arg5 : memref<2048xi32, #tpu.memory_space<vmem>>) target_semaphore(%run_scoped3A : memref<!tpu.dma_semaphore, #tpu.memory_space<semaphore_mem>>)
      %dma_wait3A_84 = tpu.memref_slice %arg3[%mul3A_0] : memref<32768xi32, #tpu.memory_space<hbm>> -> memref<2048xi32, #tpu.memory_space<hbm>>
      %dma_wait3A_85 = tpu.memref_slice %arg3[%mul3A_0] : memref<32768xi32, #tpu.memory_space<hbm>> -> memref<2048xi32, #tpu.memory_space<hbm>>
      tpu.wait_dma2 semaphore(%run_scoped3A : memref<!tpu.dma_semaphore, #tpu.memory_space<semaphore_mem>>) src(%dma_wait3A_85 : memref<2048xi32, #tpu.memory_space<hbm>>) dst(%arg5 : memref<2048xi32, #tpu.memory_space<vmem>>)
      tpu.yield
    }) : () -> ()
    %broadcast_in_dim3A = arith.constant 0 : i32
    %broadcast_in_dim3A_1 = vector.broadcast %broadcast_in_dim3A : i32 to vector<16xi32>
    %scan3A = arith.constant 0 : i32
    %scan3A_2 = arith.constant 16 : i32
    %scan3A_3 = arith.addi %scan3A, %scan3A_2 : i32
    %scan3A_4 = arith.constant 1 : i32
    %scan3A_5:8 = scf.for %scan3A_82 = %scan3A to %scan3A_3 step %scan3A_4 iter_args(%scan3A_83 = %broadcast_in_dim3A_1, %scan3A_84 = %broadcast_in_dim3A_1, %scan3A_85 = %broadcast_in_dim3A_1, %scan3A_86 = %broadcast_in_dim3A_1, %scan3A_87 = %broadcast_in_dim3A_1, %scan3A_88 = %broadcast_in_dim3A_1, %scan3A_89 = %broadcast_in_dim3A_1, %scan3A_90 = %broadcast_in_dim3A_1) -> (vector<16xi32>, vector<16xi32>, vector<16xi32>, vector<16xi32>, vector<16xi32>, vector<16xi32>, vector<16xi32>, vector<16xi32>)  : i32 {
      %mul3A_91 = arith.constant 8 : i32
      %mul3A_92 = arith.muli %scan3A_82, %mul3A_91 : i32
      %add3A_93 = arith.constant 0 : i32
      %add3A_94 = arith.addi %mul3A_92, %add3A_93 : i32
      %mul3A_95 = arith.constant 16 : i32
      %mul3A_96 = arith.muli %add3A_94, %mul3A_95 : i32
      %get3A_97 = arith.index_cast %mul3A_96 : i32 to index
      %get3A_98 = tpu.vector_load %arg5[%get3A_97] {strides = array<i32>} : memref<2048xi32, #tpu.memory_space<vmem>>, vector<16xi32>,
      %ne3A_99 = arith.constant 0 : i32
      %ne3A_100 = vector.broadcast %ne3A_99 : i32 to vector<16xi32>
      %ne3A_101 = arith.cmpi ne, %get3A_98, %ne3A_100 : vector<16xi32>
      %all_reduce_population_count3A = tpu.all_reduce %ne3A_101 {dim = 0 : i64, kind = #tpu.reduction_kind<sum>} : vector<16xi1> -> vector<16xi32>
      %add3A_102 = arith.addi %scan3A_83, %all_reduce_population_count3A : vector<16xi32>
      %mul3A_103 = arith.constant 8 : i32
      %mul3A_104 = arith.muli %scan3A_82, %mul3A_103 : i32
      %add3A_105 = arith.constant 1 : i32
      %add3A_106 = arith.addi %mul3A_104, %add3A_105 : i32
      %mul3A_107 = arith.constant 16 : i32
      %mul3A_108 = arith.muli %add3A_106, %mul3A_107 : i32
      %get3A_109 = arith.index_cast %mul3A_108 : i32 to index
      %get3A_110 = tpu.vector_load %arg5[%get3A_109] {strides = array<i32>} : memref<2048xi32, #tpu.memory_space<vmem>>, vector<16xi32>,
      %ne3A_111 = arith.constant 0 : i32
      %ne3A_112 = vector.broadcast %ne3A_111 : i32 to vector<16xi32>
      %ne3A_113 = arith.cmpi ne, %get3A_110, %ne3A_112 : vector<16xi32>
      %all_reduce_population_count3A_114 = tpu.all_reduce %ne3A_113 {dim = 0 : i64, kind = #tpu.reduction_kind<sum>} : vector<16xi1> -> vector<16xi32>
      %add3A_115 = arith.addi %scan3A_84, %all_reduce_population_count3A_114 : vector<16xi32>
      %mul3A_116 = arith.constant 8 : i32
      %mul3A_117 = arith.muli %scan3A_82, %mul3A_116 : i32
      %add3A_118 = arith.constant 2 : i32
      %add3A_119 = arith.addi %mul3A_117, %add3A_118 : i32
      %mul3A_120 = arith.constant 16 : i32
      %mul3A_121 = arith.muli %add3A_119, %mul3A_120 : i32
      %get3A_122 = arith.index_cast %mul3A_121 : i32 to index
      %get3A_123 = tpu.vector_load %arg5[%get3A_122] {strides = array<i32>} : memref<2048xi32, #tpu.memory_space<vmem>>, vector<16xi32>,
      %ne3A_124 = arith.constant 0 : i32
      %ne3A_125 = vector.broadcast %ne3A_124 : i32 to vector<16xi32>
      %ne3A_126 = arith.cmpi ne, %get3A_123, %ne3A_125 : vector<16xi32>
      %all_reduce_population_count3A_127 = tpu.all_reduce %ne3A_126 {dim = 0 : i64, kind = #tpu.reduction_kind<sum>} : vector<16xi1> -> vector<16xi32>
      %add3A_128 = arith.addi %scan3A_85, %all_reduce_population_count3A_127 : vector<16xi32>
      %mul3A_129 = arith.constant 8 : i32
      %mul3A_130 = arith.muli %scan3A_82, %mul3A_129 : i32
      %add3A_131 = arith.constant 3 : i32
      %add3A_132 = arith.addi %mul3A_130, %add3A_131 : i32
      %mul3A_133 = arith.constant 16 : i32
      %mul3A_134 = arith.muli %add3A_132, %mul3A_133 : i32
      %get3A_135 = arith.index_cast %mul3A_134 : i32 to index
      %get3A_136 = tpu.vector_load %arg5[%get3A_135] {strides = array<i32>} : memref<2048xi32, #tpu.memory_space<vmem>>, vector<16xi32>,
      %ne3A_137 = arith.constant 0 : i32
      %ne3A_138 = vector.broadcast %ne3A_137 : i32 to vector<16xi32>
      %ne3A_139 = arith.cmpi ne, %get3A_136, %ne3A_138 : vector<16xi32>
      %all_reduce_population_count3A_140 = tpu.all_reduce %ne3A_139 {dim = 0 : i64, kind = #tpu.reduction_kind<sum>} : vector<16xi1> -> vector<16xi32>
      %add3A_141 = arith.addi %scan3A_86, %all_reduce_population_count3A_140 : vector<16xi32>
      %mul3A_142 = arith.constant 8 : i32
      %mul3A_143 = arith.muli %scan3A_82, %mul3A_142 : i32
      %add3A_144 = arith.constant 4 : i32
      %add3A_145 = arith.addi %mul3A_143, %add3A_144 : i32
      %mul3A_146 = arith.constant 16 : i32
      %mul3A_147 = arith.muli %add3A_145, %mul3A_146 : i32
      %get3A_148 = arith.index_cast %mul3A_147 : i32 to index
      %get3A_149 = tpu.vector_load %arg5[%get3A_148] {strides = array<i32>} : memref<2048xi32, #tpu.memory_space<vmem>>, vector<16xi32>,
      %ne3A_150 = arith.constant 0 : i32
      %ne3A_151 = vector.broadcast %ne3A_150 : i32 to vector<16xi32>
      %ne3A_152 = arith.cmpi ne, %get3A_149, %ne3A_151 : vector<16xi32>
      %all_reduce_population_count3A_153 = tpu.all_reduce %ne3A_152 {dim = 0 : i64, kind = #tpu.reduction_kind<sum>} : vector<16xi1> -> vector<16xi32>
      %add3A_154 = arith.addi %scan3A_87, %all_reduce_population_count3A_153 : vector<16xi32>
      %mul3A_155 = arith.constant 8 : i32
      %mul3A_156 = arith.muli %scan3A_82, %mul3A_155 : i32
      %add3A_157 = arith.constant 5 : i32
      %add3A_158 = arith.addi %mul3A_156, %add3A_157 : i32
      %mul3A_159 = arith.constant 16 : i32
      %mul3A_160 = arith.muli %add3A_158, %mul3A_159 : i32
      %get3A_161 = arith.index_cast %mul3A_160 : i32 to index
      %get3A_162 = tpu.vector_load %arg5[%get3A_161] {strides = array<i32>} : memref<2048xi32, #tpu.memory_space<vmem>>, vector<16xi32>,
      %ne3A_163 = arith.constant 0 : i32
      %ne3A_164 = vector.broadcast %ne3A_163 : i32 to vector<16xi32>
      %ne3A_165 = arith.cmpi ne, %get3A_162, %ne3A_164 : vector<16xi32>
      %all_reduce_population_count3A_166 = tpu.all_reduce %ne3A_165 {dim = 0 : i64, kind = #tpu.reduction_kind<sum>} : vector<16xi1> -> vector<16xi32>
      %add3A_167 = arith.addi %scan3A_88, %all_reduce_population_count3A_166 : vector<16xi32>
      %mul3A_168 = arith.constant 8 : i32
      %mul3A_169 = arith.muli %scan3A_82, %mul3A_168 : i32
      %add3A_170 = arith.constant 6 : i32
      %add3A_171 = arith.addi %mul3A_169, %add3A_170 : i32
      %mul3A_172 = arith.constant 16 : i32
      %mul3A_173 = arith.muli %add3A_171, %mul3A_172 : i32
      %get3A_174 = arith.index_cast %mul3A_173 : i32 to index
      %get3A_175 = tpu.vector_load %arg5[%get3A_174] {strides = array<i32>} : memref<2048xi32, #tpu.memory_space<vmem>>, vector<16xi32>,
      %ne3A_176 = arith.constant 0 : i32
      %ne3A_177 = vector.broadcast %ne3A_176 : i32 to vector<16xi32>
      %ne3A_178 = arith.cmpi ne, %get3A_175, %ne3A_177 : vector<16xi32>
      %all_reduce_population_count3A_179 = tpu.all_reduce %ne3A_178 {dim = 0 : i64, kind = #tpu.reduction_kind<sum>} : vector<16xi1> -> vector<16xi32>
      %add3A_180 = arith.addi %scan3A_89, %all_reduce_population_count3A_179 : vector<16xi32>
      %mul3A_181 = arith.constant 8 : i32
      %mul3A_182 = arith.muli %scan3A_82, %mul3A_181 : i32
      %add3A_183 = arith.constant 7 : i32
      %add3A_184 = arith.addi %mul3A_182, %add3A_183 : i32
      %mul3A_185 = arith.constant 16 : i32
      %mul3A_186 = arith.muli %add3A_184, %mul3A_185 : i32
      %get3A_187 = arith.index_cast %mul3A_186 : i32 to index
      %get3A_188 = tpu.vector_load %arg5[%get3A_187] {strides = array<i32>} : memref<2048xi32, #tpu.memory_space<vmem>>, vector<16xi32>,
      %ne3A_189 = arith.constant 0 : i32
      %ne3A_190 = vector.broadcast %ne3A_189 : i32 to vector<16xi32>
      %ne3A_191 = arith.cmpi ne, %get3A_188, %ne3A_190 : vector<16xi32>
      %all_reduce_population_count3A_192 = tpu.all_reduce %ne3A_191 {dim = 0 : i64, kind = #tpu.reduction_kind<sum>} : vector<16xi1> -> vector<16xi32>
      %add3A_193 = arith.addi %scan3A_90, %all_reduce_population_count3A_192 : vector<16xi32>
      scf.yield %add3A_102, %add3A_115, %add3A_128, %add3A_141, %add3A_154, %add3A_167, %add3A_180, %add3A_193 : vector<16xi32>, vector<16xi32>, vector<16xi32>, vector<16xi32>, vector<16xi32>, vector<16xi32>, vector<16xi32>, vector<16xi32>
    }
    %scan3A_6 = arith.constant 16 : i32
    %add3A = arith.addi %scan3A_5#0, %scan3A_5#1 : vector<16xi32>
    %add3A_7 = arith.addi %scan3A_5#2, %scan3A_5#3 : vector<16xi32>
    %add3A_8 = arith.addi %add3A, %add3A_7 : vector<16xi32>
    %add3A_9 = arith.addi %scan3A_5#4, %scan3A_5#5 : vector<16xi32>
    %add3A_10 = arith.addi %scan3A_5#6, %scan3A_5#7 : vector<16xi32>
    %add3A_11 = arith.addi %add3A_9, %add3A_10 : vector<16xi32>
    %add3A_12 = arith.addi %add3A_8, %add3A_11 : vector<16xi32>
    %swap3A = arith.constant 0 : index
    %swap3A_13 = tpu.vector_load %arg6[%swap3A] {strides = array<i32>} : memref<16xi32, #tpu.memory_space<vmem>>, vector<16xi32>,
    tpu.vector_store %arg6[%swap3A], %add3A_12 {strides = array<i32>} : memref<16xi32, #tpu.memory_space<vmem>>, vector<16xi32>,
    %mul3A_14 = arith.constant 16 : i32
    %mul3A_15 = arith.muli %arg1, %mul3A_14 : i32
    "tpu.region"() ({
      %run_scoped3A = tpu.sem_alloc : memref<!tpu.dma_semaphore, #tpu.memory_space<semaphore_mem>>
      %dma_start3A_82 = tpu.memref_slice %arg7[%mul3A_15] : memref<256xi32, #tpu.memory_space<vmem_shared>> -> memref<16xi32, #tpu.memory_space<vmem_shared>>
      %dma_start3A_83 = tpu.memref_slice %arg7[%mul3A_15] : memref<256xi32, #tpu.memory_space<vmem_shared>> -> memref<16xi32, #tpu.memory_space<vmem_shared>>
      tpu.enqueue_dma source(%arg6 : memref<16xi32, #tpu.memory_space<vmem>>) target(%dma_start3A_83 : memref<16xi32, #tpu.memory_space<vmem_shared>>) target_semaphore(%run_scoped3A : memref<!tpu.dma_semaphore, #tpu.memory_space<semaphore_mem>>)
      %dma_wait3A_84 = tpu.memref_slice %arg7[%mul3A_15] : memref<256xi32, #tpu.memory_space<vmem_shared>> -> memref<16xi32, #tpu.memory_space<vmem_shared>>
      %dma_wait3A_85 = tpu.memref_slice %arg7[%mul3A_15] : memref<256xi32, #tpu.memory_space<vmem_shared>> -> memref<16xi32, #tpu.memory_space<vmem_shared>>
      tpu.wait_dma2 semaphore(%run_scoped3A : memref<!tpu.dma_semaphore, #tpu.memory_space<semaphore_mem>>) src(%arg6 : memref<16xi32, #tpu.memory_space<vmem>>) dst(%dma_wait3A_85 : memref<16xi32, #tpu.memory_space<vmem_shared>>)
      tpu.yield
    }) : () -> ()
    %barrier3A = arith.constant 0 : index
    tpu.barrier barrier_id(%barrier3A)
    %jit3A = arith.constant 4 : i32
    %div3A = arith.divsi %arg1, %jit3A : i32
    %sign3A = arith.constant 0 : i32
    %sign3A_16 = arith.cmpi sgt, %arg1, %sign3A : i32
    %sign3A_17 = arith.extui %sign3A_16 : i1 to i32
    %sign3A_18 = arith.constant 0 : i32
    %sign3A_19 = arith.cmpi slt, %arg1, %sign3A_18 : i32
    %sign3A_20 = arith.extui %sign3A_19 : i1 to i32
    %sign3A_21 = arith.subi %sign3A_17, %sign3A_20 : i32
    %sign3A_22 = arith.constant 0 : i32
    %sign3A_23 = arith.cmpi sgt, %jit3A, %sign3A_22 : i32
    %sign3A_24 = arith.extui %sign3A_23 : i1 to i32
    %sign3A_25 = arith.constant 0 : i32
    %sign3A_26 = arith.cmpi slt, %jit3A, %sign3A_25 : i32
    %sign3A_27 = arith.extui %sign3A_26 : i1 to i32
    %sign3A_28 = arith.subi %sign3A_24, %sign3A_27 : i32
    %ne3A = arith.cmpi ne, %sign3A_21, %sign3A_28 : i32
    %rem3A = arith.remsi %arg1, %jit3A : i32
    %ne3A_29 = arith.constant 0 : i32
    %ne3A_30 = arith.cmpi ne, %rem3A, %ne3A_29 : i32
    %and3A = arith.andi %ne3A, %ne3A_30 : i1
    %sub3A = arith.constant 1 : i32
    %sub3A_31 = arith.subi %div3A, %sub3A : i32
    %select_n3A = arith.select %and3A, %sub3A_31, %div3A : i32
    %jit3A_32 = arith.constant 4 : i32
    %eq3A = arith.constant 0 : i32
    %eq3A_33 = arith.cmpi eq, %jit3A_32, %eq3A : i32
    %jit3A_34 = arith.constant 1 : i32
    %select_n3A_35 = arith.select %eq3A_33, %jit3A_34, %jit3A_32 : i32
    %rem3A_36 = arith.remsi %arg1, %select_n3A_35 : i32
    %ne3A_37 = arith.constant 0 : i32
    %ne3A_38 = arith.cmpi ne, %rem3A_36, %ne3A_37 : i32
    %lt3A = arith.constant 0 : i32
    %lt3A_39 = arith.cmpi slt, %rem3A_36, %lt3A : i32
    %lt3A_40 = arith.constant 0 : i32
    %lt3A_41 = arith.cmpi slt, %select_n3A_35, %lt3A_40 : i32
    %ne3A_42 = arith.xori %lt3A_39, %lt3A_41 : i1
    %and3A_43 = arith.andi %ne3A_42, %ne3A_38 : i1
    %add3A_44 = arith.addi %rem3A_36, %select_n3A_35 : i32
    %select_n3A_45 = arith.select %and3A_43, %add3A_44, %rem3A_36 : i32
    %mul3A_46 = arith.constant 64 : i32
    %mul3A_47 = arith.muli %select_n3A_45, %mul3A_46 : i32
    "tpu.region"() ({
      %run_scoped3A = tpu.sem_alloc : memref<!tpu.dma_semaphore, #tpu.memory_space<semaphore_mem>>
      %dma_start3A_82 = tpu.memref_slice %arg7[%mul3A_47] : memref<256xi32, #tpu.memory_space<vmem_shared>> -> memref<64xi32, #tpu.memory_space<vmem_shared>>
      %dma_start3A_83 = tpu.memref_slice %arg7[%mul3A_47] : memref<256xi32, #tpu.memory_space<vmem_shared>> -> memref<64xi32, #tpu.memory_space<vmem_shared>>
      tpu.enqueue_dma source(%dma_start3A_83 : memref<64xi32, #tpu.memory_space<vmem_shared>>) target(%arg8 : memref<64xi32, #tpu.memory_space<vmem>>) target_semaphore(%run_scoped3A : memref<!tpu.dma_semaphore, #tpu.memory_space<semaphore_mem>>)
      %dma_wait3A_84 = tpu.memref_slice %arg7[%mul3A_47] : memref<256xi32, #tpu.memory_space<vmem_shared>> -> memref<64xi32, #tpu.memory_space<vmem_shared>>
      %dma_wait3A_85 = tpu.memref_slice %arg7[%mul3A_47] : memref<256xi32, #tpu.memory_space<vmem_shared>> -> memref<64xi32, #tpu.memory_space<vmem_shared>>
      tpu.wait_dma2 semaphore(%run_scoped3A : memref<!tpu.dma_semaphore, #tpu.memory_space<semaphore_mem>>) src(%dma_wait3A_85 : memref<64xi32, #tpu.memory_space<vmem_shared>>) dst(%arg8 : memref<64xi32, #tpu.memory_space<vmem>>)
      tpu.yield
    }) : () -> ()
    %get3A = arith.constant 0 : index
    %get3A_48 = tpu.vector_load %arg8[%get3A] {strides = array<i32>} : memref<64xi32, #tpu.memory_space<vmem>>, vector<16xi32>,
    %add3A_49 = arith.addi %broadcast_in_dim3A_1, %get3A_48 : vector<16xi32>
    %get3A_50 = arith.constant 16 : index
    %get3A_51 = tpu.vector_load %arg8[%get3A_50] {strides = array<i32>} : memref<64xi32, #tpu.memory_space<vmem>>, vector<16xi32>,
    %add3A_52 = arith.addi %add3A_49, %get3A_51 : vector<16xi32>
    %get3A_53 = arith.constant 32 : index
    %get3A_54 = tpu.vector_load %arg8[%get3A_53] {strides = array<i32>} : memref<64xi32, #tpu.memory_space<vmem>>, vector<16xi32>,
    %add3A_55 = arith.addi %add3A_52, %get3A_54 : vector<16xi32>
    %get3A_56 = arith.constant 48 : index
    %get3A_57 = tpu.vector_load %arg8[%get3A_56] {strides = array<i32>} : memref<64xi32, #tpu.memory_space<vmem>>, vector<16xi32>,
    %add3A_58 = arith.addi %add3A_55, %get3A_57 : vector<16xi32>
    %lt3A_59 = arith.constant 1 : i32
    %lt3A_60 = vector.broadcast %lt3A_59 : i32 to vector<16xi32>
    %lt3A_61 = arith.cmpi slt, %add3A_58, %lt3A_60 : vector<16xi32>
    %jit3A_62 = arith.constant 8192 : i32
    %broadcast_in_dim3A_63 = vector.broadcast %jit3A_62 : i32 to vector<16xi32>
    %select_n3A_64 = arith.select %lt3A_61, %broadcast_in_dim3A_63, %add3A_58 : vector<16xi1>, vector<16xi32>
    %mul3A_65 = arith.constant 8192 : i32
    %mul3A_66 = arith.muli %select_n3A, %mul3A_65 : i32
    %add3A_67 = vector.broadcast %mul3A_66 : i32 to vector<16xi32>
    %add3A_68 = arith.addi %add3A_67, %select_n3A_64 : vector<16xi32>
    %sub3A_69 = arith.constant 1 : i32
    %sub3A_70 = vector.broadcast %sub3A_69 : i32 to vector<16xi32>
    %sub3A_71 = arith.subi %add3A_68, %sub3A_70 : vector<16xi32>
    %swap3A_72 = arith.constant 0 : index
    %swap3A_73 = tpu.vector_load %arg9[%swap3A_72] {strides = array<i32>} : memref<16xi32, #tpu.memory_space<vmem>>, vector<16xi32>,
    tpu.vector_store %arg9[%swap3A_72], %sub3A_71 {strides = array<i32>} : memref<16xi32, #tpu.memory_space<vmem>>, vector<16xi32>,
    %dma_start3A = arith.constant 0 : i32
    %dma_start3A_74 = tpu.memref_slice %arg9[%dma_start3A] : memref<16xi32, #tpu.memory_space<vmem>> -> memref<1xi32, #tpu.memory_space<vmem>>
    %dma_start3A_75 = arith.constant 0 : i32
    %dma_start3A_76 = arith.constant 0 : i32
    %dma_start3A_77 = tpu.memref_slice %arg2[%dma_start3A_75, %dma_start3A_76] : memref<32768x4096xf32, #tpu.memory_space<hbm>> -> memref<32768x4096xf32, #tpu.memory_space<hbm>>
    tpu.enqueue_indirect_dma source(%dma_start3A_77 : memref<32768x4096xf32, #tpu.memory_space<hbm>>) target(%arg10 : memref<1x4096xf32, #tpu.memory_space<vmem>>) offsets(%dma_start3A_74 : memref<1xi32, #tpu.memory_space<vmem>>) semaphore(%arg11 : memref<!tpu.dma_semaphore, #tpu.memory_space<semaphore_mem>>)
    %dma_wait3A = arith.constant 0 : i32
    %dma_wait3A_78 = tpu.memref_slice %arg9[%dma_wait3A] : memref<16xi32, #tpu.memory_space<vmem>> -> memref<1xi32, #tpu.memory_space<vmem>>
    %dma_wait3A_79 = arith.constant 0 : i32
    %dma_wait3A_80 = arith.constant 0 : i32
    %dma_wait3A_81 = tpu.memref_slice %arg2[%dma_wait3A_79, %dma_wait3A_80] : memref<32768x4096xf32, #tpu.memory_space<hbm>> -> memref<32768x4096xf32, #tpu.memory_space<hbm>>
    tpu.wait_indirect_dma semaphore(%arg11 : memref<!tpu.dma_semaphore, #tpu.memory_space<semaphore_mem>>) src(%dma_wait3A_81 : memref<32768x4096xf32, #tpu.memory_space<hbm>>) dst(%arg10 : memref<1x4096xf32, #tpu.memory_space<vmem>>)
    "tpu.region"() ({
      %run_scoped3A = tpu.sem_alloc : memref<!tpu.dma_semaphore, #tpu.memory_space<semaphore_mem>>
      %dma_start3A_82 = arith.constant 0 : i32
      %dma_start3A_83 = tpu.memref_slice %arg4[%arg1, %dma_start3A_82] : memref<16x4096xf32, #tpu.memory_space<hbm>> -> memref<1x4096xf32, #tpu.memory_space<hbm>>
      %dma_start3A_84 = arith.constant 0 : i32
      %dma_start3A_85 = tpu.memref_slice %arg4[%arg1, %dma_start3A_84] : memref<16x4096xf32, #tpu.memory_space<hbm>> -> memref<1x4096xf32, #tpu.memory_space<hbm>>
      tpu.enqueue_dma source(%arg10 : memref<1x4096xf32, #tpu.memory_space<vmem>>) target(%dma_start3A_85 : memref<1x4096xf32, #tpu.memory_space<hbm>>) target_semaphore(%run_scoped3A : memref<!tpu.dma_semaphore, #tpu.memory_space<semaphore_mem>>)
      %dma_wait3A_86 = arith.constant 0 : i32
      %dma_wait3A_87 = tpu.memref_slice %arg4[%arg1, %dma_wait3A_86] : memref<16x4096xf32, #tpu.memory_space<hbm>> -> memref<1x4096xf32, #tpu.memory_space<hbm>>
      %dma_wait3A_88 = arith.constant 0 : i32
      %dma_wait3A_89 = tpu.memref_slice %arg4[%arg1, %dma_wait3A_88] : memref<16x4096xf32, #tpu.memory_space<hbm>> -> memref<1x4096xf32, #tpu.memory_space<hbm>>
      tpu.wait_dma2 semaphore(%run_scoped3A : memref<!tpu.dma_semaphore, #tpu.memory_space<semaphore_mem>>) src(%arg10 : memref<1x4096xf32, #tpu.memory_space<vmem>>) dst(%dma_wait3A_89 : memref<1x4096xf32, #tpu.memory_space<hbm>>)
      tpu.yield
    }) : () -> ()
    return
  }
}

</mosaic_0001>

<sc_bundles>
// kernel: kernel.3.cloned.1.call-start
scs
__scs_entry_jumppad:
0x0: {  	(pc) =	sbr.rel $0x88, $3  }
0x1: {  	(tag) =	ssettag $0x0;
	lr =	simm.s32 $0x1  }
0x2: {  	[smem:$0x3F9F] =	sst lr;
	_ =	strace $0xD0000000  }
0x3: {  	_ = 	snop  }
0x4: {  	_ = 	snop  }
0x5: {  	_ = 	snop  }
0x6: {  	_ = 	snop  }
0x7: {  	_ = 	snop  }
__scs_overlays_trampoline_lowered:
0x8: {  	[smem:$0x3FAE] =	sst s0  }
0x9: {  	[smem:$0x3FAF] =	sst s1  }
0xa: {  	[smem:$0x3FB0] =	sst s2  }
0xb: {  	[smem:$0x3FB1] =	sst s3  }
0xc: {  	[smem:$0x3FB2] =	sst s4  }
0xd: {  	[smem:$0x3FB3] =	sst s5  }
0xe: {  	[smem:$0x3FB4] =	sst s6  }
0xf: {  	[smem:$0x3FB5] =	sst s7  }
0x10: {  	[smem:$0x3FB6] =	sst s8  }
0x11: {  	[smem:$0x3FB7] =	sst s9;
	s0 =	simm.s32 @!p0 $0x0  }
0x12: {  	s1 =	sld [smem:$0x3F9D];
	s0 =	simm.s32 @p0 $0x1  }
0x13: {  	[smem:$0x3FB8] =	sst s0;
	s0 =	simm.s32 @!p1 $0x0  }
0x14: {  	s2 =	sld [smem:$0x3F9C];
	s0 =	simm.s32 @p1 $0x1  }
0x15: {  	[smem:$0x3FB9] =	sst s0;
	s0 =	simm.s32 @!p2 $0x0  }
0x16: {  	s3 =	sld [smem:$0x3FDB];
	s0 =	simm.s32 @p2 $0x1  }
0x17: {  	s4 =	simm.s32 $0x1BF5;
	[smem:$0x3FBB] =	sst s0  }
0x18: {  	s0 =	sld [smem:$0x3F9E];
	_ =	swait.ge [sflag:s4], $0x0  }
0x19: {  	s7 =	sld [smem:$0x3F9F]  }
0x1a: {  	s8 =	sadd.s32 $0xFFFFE003, lr  }
0x1b: {  	s9 =	sadd.s32 $0xFFFFFEF7, lr;
	s5 =	simm.s32 $0xFFFFFFFF;
	p2 =	slt.u32 s8, $0xFFFFF086  }
0x1c: {  	p1 =	slt.u32 s9, $0xF7A;
	s5 =	simm.s32 @!p2 $0x0  }
0x1d: {  	s5 =	simm.s32 @p1 $0x1;
	p0 =	seq.s32 s7, s2  }
0x1e: {  	s7 =	smul.u32 @!p0 $0xF7A, s2;
	p2 =	seq.s32 @!p0 s5, $0x0  }
0x1f: {  	s9 =	smul.u32 $0xF7A, s1;
	s8 =	simm.s32 @!p0 $0x1BF5;
	p2 =	por !p2, p0  }
0x20: {  	[sflag:s8] =	ssyncset.s32 @!p0 $0xFFFFF086;
	s6 =	sadd.s32 @!p0 s3, s7;
	s7 =	simm.s32 @!p0 $0x108  }
0x21: {  	s3 =	sadd.s32 s3, s9;
	s6 =	sadd.s32 @!p0 $0x88, s6;
	s7 =	simm.s32 @p2 $0x1082  }
0x22: {  	[simem:s7], [sflag:s8] =	dma.local @!p0 [hbm:s6], $0xF7A  }
0x23: {  	s9 =	sor.u32 $0xD0000000, s2;
	s6 =	simm.s32 $0x108;
	_ =	swait.ge @!p0 [sflag:s8], $0x0  }
0x24: {  	s3 =	sadd.s32 $0x88, s3;
	s6 =	simm.s32 @!p1 $0x1082;
	[sflag:s4] =	ssyncset.s32 $0xFFFFF086  }
0x25: {  	[simem:s6], [sflag:s4] =	dma.local [hbm:s3], $0xF7A  }
0x26: {  	[smem:$0x3F9F] =	sst s1;
	(tag) =	ssettag s2;
	_ =	strace s9  }
0x27: {  	s1 =	sld [smem:$0x3FAF]  }
0x28: {  	s2 =	sld [smem:$0x3FB0]  }
0x29: {  	s4 =	sld [smem:$0x3FB2]  }
0x2a: {  	p0 =	seq.s32 s5, $0x0;
	s5 =	sld [smem:$0x3FB3]  }
0x2b: {  	s6 =	sld [smem:$0x3FB4]  }
0x2c: {  	s7 =	sld [smem:$0x3FB5]  }
0x2d: {  	s3 =	simm.s32 $0x108;
	s8 =	sld [smem:$0x3FB6]  }
0x2e: {  	s3 =	simm.s32 @!p0 $0x1082;
	s9 =	sld [smem:$0x3FB7]  }
0x2f: {  	lr =	sadd.s32 s0, s3;
	s0 =	sld [smem:$0x3FAE]  }
0x30: {  	s3 =	sld [smem:$0x3FB1]  }
0x31: {  	[smem:$0x3FBA] =	sst s10  }
0x32: {  	s10 =	sld [smem:$0x3FB8];
	_ =	sdelay $0x3  }
0x33: {  	p0 =	seq.s32 s10, $0x1;
	s10 =	sld [smem:$0x3FBA];
	_ =	sdelay $0x3  }
0x34: {  	[smem:$0x3FBA] =	sst s10  }
0x35: {  	s10 =	sld [smem:$0x3FB9];
	_ =	sdelay $0x3  }
0x36: {  	p1 =	seq.s32 s10, $0x1;
	s10 =	sld [smem:$0x3FBA];
	_ =	sdelay $0x3  }
0x37: {  	[smem:$0x3FBA] =	sst s10  }
0x38: {  	s10 =	sld [smem:$0x3FBB]  }
0x39: {  	_ = 	snop;
	(pc) =	sbr.ind lr, $3  }
0x3a: {  	_ = 	snop  }
0x3b: {  	_ = 	snop  }
0x3c: {  	p2 =	seq.s32 s10, $0x1;
	s10 =	sld [smem:$0x3FBA]  }
0x3d: {  	_ =	shalt  }
0x3e: {  	_ =	shalt  }
0x3f: {  	_ =	shalt  }
0x40: {  	_ =	shalt  }
0x41: {  	_ =	shalt  }
0x42: {  	_ =	shalt  }
0x43: {  	_ =	shalt  }
0x44: {  	_ =	shalt  }
0x45: {  	_ =	shalt  }
0x46: {  	_ =	shalt  }
0x47: {  	_ =	shalt  }
0x48: {  	_ =	shalt  }
0x49: {  	_ =	shalt  }
0x4a: {  	_ =	shalt  }
0x4b: {  	_ =	shalt  }
0x4c: {  	_ =	shalt  }
0x4d: {  	_ =	shalt  }
0x4e: {  	_ =	shalt  }
0x4f: {  	_ =	shalt  }
0x50: {  	_ =	shalt  }
0x51: {  	_ =	shalt  }
0x52: {  	_ =	shalt  }
0x53: {  	_ =	shalt  }
0x54: {  	_ =	shalt  }
0x55: {  	_ =	shalt  }
0x56: {  	_ =	shalt  }
0x57: {  	_ =	shalt  }
0x58: {  	_ =	shalt  }
0x59: {  	_ =	shalt  }
0x5a: {  	_ =	shalt  }
0x5b: {  	_ =	shalt  }
0x5c: {  	_ =	shalt  }
0x5d: {  	_ =	shalt  }
0x5e: {  	_ =	shalt  }
0x5f: {  	_ =	shalt  }
0x60: {  	_ =	shalt  }
0x61: {  	_ =	shalt  }
0x62: {  	_ =	shalt  }
0x63: {  	_ =	shalt  }
0x64: {  	_ =	shalt  }
0x65: {  	_ =	shalt  }
0x66: {  	_ =	shalt  }
0x67: {  	_ =	shalt  }
0x68: {  	_ =	shalt  }
0x69: {  	_ =	shalt  }
0x6a: {  	_ =	shalt  }
0x6b: {  	_ =	shalt  }
0x6c: {  	_ =	shalt  }
0x6d: {  	_ =	shalt  }
0x6e: {  	_ =	shalt  }
0x6f: {  	_ =	shalt  }
0x70: {  	_ =	shalt  }
0x71: {  	_ =	shalt  }
0x72: {  	_ =	shalt  }
0x73: {  	_ =	shalt  }
0x74: {  	_ =	shalt  }
0x75: {  	_ =	shalt  }
0x76: {  	_ =	shalt  }
0x77: {  	_ =	shalt  }
0x78: {  	_ =	shalt  }
0x79: {  	_ =	shalt  }
0x7a: {  	_ =	shalt  }
0x7b: {  	_ =	shalt  }
0x7c: {  	_ =	shalt  }
0x7d: {  	_ =	shalt  }
0x7e: {  	_ =	shalt  }
0x7f: {  	_ =	shalt  }
0x80: {  	_ =	shalt  }
0x81: {  	_ =	shalt  }
0x82: {  	_ =	shalt  }
0x83: {  	_ =	shalt  }
0x84: {  	_ =	shalt  }
0x85: {  	_ =	shalt  }
0x86: {  	_ =	shalt  }
0x87: {  	_ =	shalt  }
.Lfunc_end0:
.L_simem_size_0:
called_computation_lowered:
.L_overlay_start_0:
0x88: {  	s0 =	sld [smem:$0x3FD9]  }
0x89: {  	s1 =	sld [smem:$0x3FFE];
	_ =	sdelay $0x3  }
0x8a: {  	s0 =	sadd.s32 s1, s0  }
0x8b: {  	[smem:$0x3FC6] =	sst s0  }
0x8c: {  	_ = 	snop  }
0x8d: {  	s0 =	sld [smem:$0x3FC9]  }
0x8e: {  	s16 =	sld [smem:$0x3FD0];
	(tm) =	ssettm $0x1  }
0x8f: {  	s2 =	sld [smem:$0x3FFB];
	_ =	sdelay $0x3  }
0x90: {  	_ =	strace s2  }
0x91: {  	s2 =	sld [smem:$0x3FFC];
	_ =	sdelay $0x3  }
0x92: {  	_ =	strace s2  }
0x93: {  	s2 =	sld [smem:$0x3FFD];
	_ =	sdelay $0x3  }
0x94: {  	_ =	strace s2  }
0x95: {  	_ =	strace $0x8FFFFFFF  }
0x96: {  	s17 =	sld [smem:$0x3FDB];
	_ =	sdelay $0x1  }
0x97: {  	s3 =	simm.s32 $_scs_section_size  }
0x98: {  	s4 =	simm.s32 $_size__tile_overlayer_lowered;
	s5 =	simm.s32 $_tile_overlayer_lowered  }
0x99: {  	s20 =	simm.s32 $0x1BFF;
	s19 =	sshll.u32 s5, $0x1;
	s2 =	sadd.s32 s3, s17  }
0x9a: {  	s6 =	simm.s32 $0x0;
	s18 =	sshll.u32 s4, $0x1;
	s4 =	sadd.s32 s19, s2  }
0x9b: {  	[timem:s6], [sflag:s20] =	dma.local [hbm:s4], s18  }
0x9c: {  	_ =	swait.ge [sflag:s20], s18  }
0x9d: {  	s3 =	ssub.s32 $0x0, s18;
	[sflag:s20] =	ssyncset.done $0x0  }
0x9e: {  	[sflag:s20] =	ssyncadd.s32 s3;
	_ =	sdelay $0x1  }
0x9f: {  	s21 =	simm.s32 $0x1B8B  }
0xa0: {  	_ =	swait.ge [sflag:s21], $0x1  }
0xa1: {  	[sflag:s21] =	ssyncset.done $0x0  }
0xa2: {  	s23 =	simm.s32 $0x1B8E;
	s22 =	sld [smem:$0x3FFE];
	[sflag:s21] =	ssyncadd.s32 $0xFFFFFFFF  }
0xa3: {  	s24 =	simm.s32 $execute0_lowered;
	[smem:$0x3FD2] =	sst s23  }
0xa4: {  	s4 =	sshll.u32 s24, $0x1;
	_ =	strace $0x80000046;
	[dreg:$0x1] =	wrdreg $0xFFFFFFFF  }
0xa5: {  	s25 =	simm.s32 $_size_execute0_lowered;
	s2 =	sadd.s32 s2, s4;
	[dreg:$0x0] =	wrdreg $0x0  }
0xa6: {  	s4 =	sshll.u32 s25, $0x1;
	[dreg:$0x2] =	wrdreg s2  }
0xa7: {  	[dreg:$0x3] =	wrdreg s4  }
0xa8: {  	[dreg:$0x4] =	wrdreg $0xC0  }
0xa9: {  	_ =	task [dreg:s6], $0x5FFFF  }
0xaa: {  	[dreg:$0x1] =	wrdreg $0xFFFFFFFF  }
0xab: {  	[dreg:$0x0] =	wrdreg $0x60  }
0xac: {  	[dreg:$0x2] =	wrdreg s0  }
0xad: {  	[dreg:$0x3] =	wrdreg s16  }
0xae: {  	[dreg:$0x4] =	wrdreg s22  }
0xaf: {  	[dreg:$0x5] =	wrdreg $0x8800  }
0xb0: {  	[dreg:$0x6] =	wrdreg $0x9  }
0xb1: {  	_ =	task.clear_ibuf [dreg:s6], $0x7FFFF;
	_ =	strace $0x90000046  }
0xb2: {  	s26 =	simm.s32 $0x9;
	_ =	strace $0x80000048  }
0xb3: {  	_ =	swait.ge [sflag:s26], $0x1  }
0xb4: {  	[sflag:s26] =	ssyncadd.s32 $0xFFFFFFFF  }
0xb5: {  	_ =	strace $0x90000048  }
0xb6: {  	_ =	sfence  }
0xb7: {  	s28 =	sld [smem:$0x0];
	_ =	sdelay $0x1  }
0xb8: {  	s29 =	srdreg.scid  }
0xb9: {  	s30 =	sshll.u32 s29, $0xD;
	s31 =	sshrl.u32 s29, $0x2  }
0xba: {  	s1 =	sand.u32 $0x1, s29;
	s2 =	sand.u32 $0x4000, s30;
	s0 =	sadd.s32 s31, s28  }
0xbb: {  	s1 =	sor.u32 s2, s1;
	s0 =	sshll.u32 s0, $0x11  }
0xbc: {  	s0 =	sor.u32 s0, s1  }
0xbd: {  	s0 =	sadd.s32 $0x8F2B, s0  }
0xbe: {  	[sflag:s0] =	ssyncadd.remote.s32 $0x1  }
0xbf: {  	_ =	sfence.sel $0xFFFF  }
0xc0: {  	[dreg:$0x0] =	wrdreg $0xFFFFFFFF;
	(pc) =	sbr.abs _section_cstart, $3  }
0xc1: {  	[dreg:$0x1] =	wrdreg $0xFFFFFFFF  }
0xc2: {  	_ =	task.clear_ibuf [dreg:s6], $0x2FFFF;
	_ =	strace $0x9FFFFFFF  }
0xc3: {  	(tm) =	ssettm $0x7FFFFFFF  }
tec
execute0_lowered:
.L_overlay_start_1:
0x0: {  	(tag) =	ssettag $0x1  }
0x1: {  	s2 =	rddreg [dreg:$0x0]  }
0x2: {  	s3 =	rddreg [dreg:$0x1]  }
0x3: {  	s6 =	rddreg [dreg:$0x2]  }
0x4: {  	s4 =	rddreg [dreg:$0x3]  }
0x5: {  	s0 =	rddreg [dreg:$0x4];
	s7 =	simm.s32 $0x0;
	s1 =	stileid.u32  }
0x6: {  	[smem:$0x7FF] =	sst s7;
	s5 =	sshll.u32 s1, $0x8  }
0x7: {  	s31 =	simm.s32 $0x2;
	_ =	strace $0x80000047;
	s3 =	sadd.s32 s3, s5  }
0x8: {  	[tilespmem:s7], [sflag:$0x2] =	stream.linear.gather [hbm4b:s3+s7], $0x800, $0x38;
	[tilespmem:$0x1990] =	vst v63  }
0x9: {  	_ =	swait.ge [sflag:s31], $0x800  }
0xa: {  	[sflag:s31] =	ssyncset.done $0x0  }
0xb: {  	s8 =	simm.s32 $0x0;
	[sflag:s31] =	ssyncadd.s32 $0xFFFFF800  }
0xc: {  	v0 =	vld [tilespmem:s8+$0x70]  }
0xd: {  	v1 =	vld [tilespmem:s8+$0x0]  }
0xe: {  	v3 =	vld [tilespmem:s8+$0x10]  }
0xf: {  	v8 =	vimm.s32 $0x0;
	v13 =	vld [tilespmem:s8+$0x20]  }
0x10: {  	v7 =	vimm.s32 $0x0;
	v6 =	vimm.s32 $0x0;
	v4 =	vimm.s32 $0x0;
	v10 =	vld [tilespmem:s8+$0x30]  }
0x11: {  	v5 =	vimm.s32 $0x0;
	v9 =	vld [tilespmem:s8+$0x40];
	vm0 =	vne.s32 v0, $0x0;
	v0 =	vimm.s32 $0x0  }
0x12: {  	v11 =	vld [tilespmem:s8+$0x50];
	vm1 =	vne.s32 v1, $0x0;
	v1 =	vimm.s32 $0x0;
	v2 =	vmpcnt.ones.xlane vm0  }
0x13: {  	s3 =	sadd.s32 $0x400, s6;
	s6 =	simm.s32 $0x80;
	s7 =	simm.s32 $0x400;
	v12 =	vld [tilespmem:s8+$0x60];
	v14 =	vmpcnt.ones.xlane vm1;
	vm0 =	vne.s32 v3, $0x0;
	v3 =	vimm.s32 $0x0  }
.LBB2_1:
0x14: {  	p0 =	sne.s32 s7, $0x1E00;
	v15 =	vld [tilespmem:s6+$0x70];
	v16 =	vmpcnt.ones.xlane vm0;
	vm0 =	vne.s32 v13, $0x0;
	v0 =	vadd.s32 v0, v2  }
0x15: {  	v2 =	vld [tilespmem:s6+$0x0];
	v8 =	vadd.s32 v8, v14;
	v14 =	vmpcnt.ones.xlane vm0;
	vm0 =	vne.s32 v10, $0x0  }
0x16: {  	v17 =	vld [tilespmem:s6+$0x10];
	v7 =	vadd.s32 v7, v16;
	v16 =	vmpcnt.ones.xlane vm0;
	vm0 =	vne.s32 v9, $0x0  }
.Ltmp0:
0x17: {  	v13 =	vld [tilespmem:s6+$0x20];
	v6 =	vadd.s32 v6, v14;
	v14 =	vmpcnt.ones.xlane vm0;
	vm0 =	vne.s32 v11, $0x0;
	(pc) =	sbr.rel @p0 .LBB2_1-.Ltmp0, $4  }
0x18: {  	v10 =	vld [tilespmem:s6+$0x30];
	v4 =	vadd.s32 v4, v16;
	v16 =	vmpcnt.ones.xlane vm0;
	vm0 =	vne.s32 v12, $0x0  }
0x19: {  	v9 =	vld [tilespmem:s6+$0x40];
	vm1 =	vne.s32 v15, $0x0;
	v5 =	vadd.s32 v5, v14;
	v15 =	vmpcnt.ones.xlane vm0  }
0x1a: {  	vm0 =	vne.s32 v2, $0x0;
	v11 =	vld [tilespmem:s6+$0x50];
	v2 =	vmpcnt.ones.xlane vm1;
	v3 =	vadd.s32 v3, v16  }
0x1b: {  	v14 =	vmpcnt.ones.xlane vm0;
	vm0 =	vne.s32 v17, $0x0;
	v12 =	vld [tilespmem:s6+$0x60];
	s6 =	sshra.s32 s7, $0x2;
	s7 =	sadd.s32 $0x200, s7;
	v1 =	vadd.s32 v1, v15  }
0x1c: {  	v15 =	vld [tilespmem:s6+$0x0]  }
0x1d: {  	v16 =	vld [tilespmem:s6+$0x70]  }
0x1e: {  	v37 =	vld [tilespmem:s6+$0x10]  }
0x1f: {  	v39 =	vld [tilespmem:s6+$0x20]  }
0x20: {  	vm1 =	vne.s32 v13, $0x0;
	v35 =	vmpcnt.ones.xlane vm0;
	v41 =	vld [tilespmem:s6+$0x30]  }
0x21: {  	v43 =	vld [tilespmem:s6+$0x40];
	v8 =	vadd.s32 v8, v14;
	v36 =	vmpcnt.ones.xlane vm1;
	vm14 =	vne.s32 v10, $0x0  }
0x22: {  	v46 =	vld [tilespmem:s6+$0x50];
	v7 =	vadd.s32 v7, v35;
	v38 =	vmpcnt.ones.xlane vm14;
	vm15 =	vne.s32 v9, $0x0  }
0x23: {  	v47 =	vld [tilespmem:s6+$0x60];
	v6 =	vadd.s32 v6, v36;
	v40 =	vmpcnt.ones.xlane vm15;
	vm4 =	vne.s32 v11, $0x0  }
0x24: {  	v4 =	vadd.s32 v4, v38;
	v42 =	vmpcnt.ones.xlane vm4;
	vm6 =	vne.s32 v12, $0x0  }
0x25: {  	vm5 =	vne.s32 v15, $0x0;
	v5 =	vadd.s32 v5, v40;
	v45 =	vmpcnt.ones.xlane vm6  }
0x26: {  	vm7 =	vne.s32 v37, $0x0;
	vm8 =	vne.s32 v39, $0x0;
	vm9 =	vne.s32 v16, $0x0  }
0x27: {  	vm10 =	vne.s32 v41, $0x0;
	vm11 =	vne.s32 v43, $0x0;
	vm12 =	vne.s32 v46, $0x0  }
0x28: {  	vm13 =	vne.s32 v47, $0x0;
	v44 =	vmpcnt.ones.xlane vm5;
	v48 =	vmpcnt.ones.xlane vm7  }
0x29: {  	v3 =	vadd.s32 v3, v42;
	v9 =	vmpcnt.ones.xlane vm8;
	v49 =	vmpcnt.ones.xlane vm9  }
0x2a: {  	v50 =	vmpcnt.ones.xlane vm10;
	v8 =	vadd.s32 v8, v44;
	v7 =	vadd.s32 v7, v48  }
0x2b: {  	v51 =	vmpcnt.ones.xlane vm11;
	v6 =	vadd.s32 v6, v9;
	v7 =	vadd.s32 v8, v7  }
0x2c: {  	v52 =	vmpcnt.ones.xlane vm12;
	v4 =	vadd.s32 v4, v50;
	v6 =	vadd.s32 v6, v7  }
0x2d: {  	v53 =	vmpcnt.ones.xlane vm13;
	v5 =	vadd.s32 v5, v51;
	v4 =	vadd.s32 v4, v6  }
0x2e: {  	v1 =	vadd.s32 v1, v45;
	v3 =	vadd.s32 v3, v52;
	v4 =	vadd.s32 v5, v4  }
0x2f: {  	v0 =	vadd.s32 v0, v2;
	v1 =	vadd.s32 v1, v53;
	v54 =	vadd.s32 v3, v4  }
0x30: {  	v0 =	vadd.s32 v0, v49;
	v1 =	vadd.s32 v1, v54  }
0x31: {  	s17 =	sshll.u32 s1, $0x4;
	v0 =	vadd.s32 v0, v1  }
0x32: {  	s8 =	simm.s32 $0x800;
	s18 =	simm.s32 $0x2;
	s7 =	sadd.s32 s17, s4;
	[tilespmem:$0x800] =	vst v0  }
0x33: {  	[spmem:s7] =	stream.linear.scatter [tilespmem:s8], [sflag:$0x2], $0x10, $0x38;
	[tilespmem:$0x1990] =	vst v63  }
0x34: {  	_ =	swait.ge [sflag:s18], $0x10  }
0x35: {  	s5 =	sand.u32 $0x300, s5;
	[sflag:s18] =	ssyncset.done $0x0  }
0x36: {  	s5 =	sshrl.u32 s5, $0x2;
	[sflag:s18] =	ssyncadd.s32 $0xFFFFFFF0  }
0x37: {  	s20 =	simm.s32 $0x890;
	s19 =	sadd.s32 s5, s4;
	[bflag:$0x0] =	sbarrier.arrive $0xFFFF  }
0x38: {  	[tilespmem:s20], [sflag:$0x2] =	stream.linear.gather [spmem:s19], $0x40, $0x38;
	[tilespmem:$0x1990] =	vst v63  }
0x39: {  	_ =	swait.ge [sflag:s18], $0x40  }
0x3a: {  	[sflag:s18] =	ssyncset.done $0x0  }
0x3b: {  	[sflag:s18] =	ssyncadd.s32 $0xFFFFFFC0  }
0x3c: {  	v55 =	vld [tilespmem:$0x890]  }
0x3d: {  	v56 =	vld [tilespmem:$0x8A0]  }
0x3e: {  	v57 =	vld [tilespmem:$0x8B0]  }
0x3f: {  	v58 =	vld [tilespmem:$0x8C0];
	_ =	sdelay $0x1  }
0x40: {  	s21 =	sshll.u32 s1, $0xB  }
0x41: {  	s4 =	sand.u32 $0x6000, s21;
	v0 =	vadd.s32 v55, v56  }
0x42: {  	v59 =	vmov s4;
	v0 =	vadd.s32 v57, v0  }
0x43: {  	v1 =	vadd.s32 $0xFFFFFFFF, v59;
	v0 =	vadd.s32 v58, v0  }
0x44: {  	v1 =	vbroadcast v1, $0x0;
	vm14 =	vlt.s32 v0, $0x1  }
0x45: {  	v0 =	vsel vm14, $0x2000, v0  }
0x46: {  	v0 =	vadd.s32 v0, v1  }
0x47: {  	[tilespmem:$0x910] =	vst v0  }
0x48: {  	v0 =	vld.msk [tilespmem:$0x910], $0x1;
	_ =	sdelay $0x4  }
0x49: {  	v60 =	vshll.u32 v0, $0x5  }
0x4a: {  	v0 =	vand.u32 $0x7, v0;
	v1 =	vand.u32 $0xFFFFFF00, v60  }
0x4b: {  	v61 =	vimm.s32 $0x0;
	v62 =	vlaneseq.u32;
	v0 =	vor.u32 v0, v1  }
0x4c: {  	v63 =	vmul.u32 $0x8, v62;
	v0 =	vperm.xlane v0, v61;
	_ =	sdelay $0x1  }
0x4d: {  	v0 =	vadd.s32 v63, v0;
	_ =	sdelay $0x3  }
0x4e: {  	s22 =	simm.s32 $0x0;
	s23 =	simm.s32 $0x990;
	s24 =	sadd.s32 $0x800, s2;
	vm15 =	vmmov $0xffff  }
0x4f: {  	[tilespmem:s23], [sflag:$0x1] =	stream.indirect_vreg.gather [hbm4b:s2+s22], $0x80, v0, vm15, $0xb8;
	[tilespmem:$0x1990] =	vst v63  }
0x50: {  	s25 =	simm.s32 $0x1190;
	s26 =	sshll.u32 s1, $0x9;
	s29 =	simm.s32 $0x1  }
0x51: {  	[tilespmem:s25], [sflag:$0x1] =	stream.indirect_vreg.gather [hbm4b:s24+s22], $0x80, v0, vm15, $0xb8;
	[tilespmem:$0x1990] =	vst v63  }
0x52: {  	s30 =	simm.s32 $0x80;
	s28 =	sand.u32 $0x70, s17;
	_ =	swait.ge [sflag:s29], $0x1000  }
0x53: {  	s3 =	sadd.s32 s3, s28;
	s2 =	sand.u32 $0x1000, s26;
	[sflag:s29] =	ssyncset.done $0x0  }
0x54: {  	s31 =	simm.s32 $0x400;
	s2 =	sadd.s32 s2, s3;
	[sflag:s29] =	ssyncadd.s32 $0xFFFFF000  }
0x55: {  	[hbm4b:s2+s30] =	stream.strided.scatter [tilespmem:s23], [sflag:$0x2], $0x1000, s31, s30, $0x38;
	[tilespmem:$0x1990] =	vst v63  }
0x56: {  	_ =	swait.ge [sflag:s18], $0x1000  }
0x57: {  	[sflag:s18] =	ssyncset.done $0x0  }
0x58: {  	[sflag:s18] =	ssyncadd.s32 $0xFFFFF000  }
0x59: {  	_ =	sfence.sel $0x180000  }
0x5a: {  	[bflag:$0x0] =	sbarrier.arrive $0xFFFF  }
0x5b: {  	p0 =	sne.s32 s1, $0x0;
	_ =	strace $0x90000047  }
0x5c: {  	s0 =	sadd.s32 @!p0 $0x100000, s0;
	[bflag:$0x2] =	sbarrier.arrive $0xFFFF  }
0x5d: {  	[sflag:s0] =	ssyncadd.tile.s32 @!p0 $0x1;
	_ =	shalt  }
.Lfunc_end2:
_tile_overlayer_lowered:
.L_overlay_start_2:
0x5e: {  	(tag) =	ssettag $0x2  }
0x5f: {  	s0 =	rddreg [dreg:$0x0];
	s2 =	stileid.u32  }
0x60: {  	s1 =	rddreg [dreg:$0x1];
	p0 =	sne.s32 s2, $0x0  }
0x61: {  	s3 =	rddreg [dreg:$0x2];
	[bflag:$0x3] =	sbarrier.arrive $0xFFFF;
	s2 =	simm.s32 @!p0 $0x1C02  }
0x62: {  	[timem:s3], [sflag:s2] =	dma.local @!p0 [hbm:s0], s1  }
0x63: {  	s0 =	simm.s32 @!p0 $0x2  }
0x64: {  	_ =	swait.ge @!p0 [sflag:s0], s1  }
0x65: {  	s1 =	ssub.s32 @!p0 $0x0, s1;
	[sflag:s0] =	ssyncset.done @!p0 $0x0  }
0x66: {  	[sflag:s0] =	ssyncadd.s32 @!p0 s1  }
0x67: {  	[bflag:$0x3] =	sbarrier.arrive $0xFFFF  }
0x68: {  	_ =	shalt  }

</sc_bundles>
